<compile_context>
chip_gen: v7x
topology: tpu7x:2x2x1
jax: 0.10.2.dev20260603
libtpu: 0.0.44.dev20260713+nightly
codegen_flags: <defaults>
</compile_context>

<pallas_src>
import functools

import jax
import jax.numpy as jnp
from jax import lax
from jax.experimental import pallas as pl
from jax.experimental.pallas import tpu as pltpu
from jax.experimental.pallas import tpu_sc as plsc

_R = 3
_CH = 2048
_QPR = 64 * 32768 // _CH
_Q = _R * _QPR
_NW = 32
_QPW = _Q // _NW
_B = 24
_NB = _QPW // _B


def _idx_body(mask_ref, idx_ref):
    q = (lax.broadcasted_iota(jnp.int32, idx_ref.shape, 0) * idx_ref.shape[1]
         + lax.broadcasted_iota(jnp.int32, idx_ref.shape, 1))
    rowq = q // _QPR
    colq = q - rowq * _QPR
    src_vec = jnp.zeros(idx_ref.shape, jnp.int32)
    for r in range(_R):
        count = 0
        src_r = 0
        for row in range(_R):
            keep = 1 - mask_ref[row]
            hit = jnp.logical_and(count == r, keep == 1)
            src_r = jnp.where(hit, row, src_r)
            count = count + keep
        src_vec = jnp.where(rowq == r, src_r, src_vec)
    idx_ref[...] = src_vec * _QPR + colq


def _compute_idx(mask_i32):
    return pl.pallas_call(
        _idx_body,
        in_specs=[pl.BlockSpec(memory_space=pltpu.SMEM)],
        out_specs=pl.BlockSpec((_Q // 128, 128), lambda: (0, 0)),
        out_shape=jax.ShapeDtypeStruct((_Q // 128, 128), jnp.int32),
    )(mask_i32)


def _make_sc_gather():
    mesh = plsc.VectorSubcoreMesh(core_axis_name="c", subcore_axis_name="s")

    @functools.partial(
        pl.kernel,
        mesh=mesh,
        out_type=jax.ShapeDtypeStruct((_Q, _CH), jnp.float32),
        scratch_types=[
            pltpu.VMEM((_QPW,), jnp.int32),
            pltpu.VMEM((_B, _CH), jnp.float32),
            pltpu.VMEM((_B, _CH), jnp.float32),
            pltpu.SemaphoreType.DMA,
            pltpu.SemaphoreType.DMA,
            pltpu.SemaphoreType.DMA,
            pltpu.SemaphoreType.DMA,
        ],
    )
    def sc_gather(x_hbm, idx_hbm, out_hbm, idx_v, buf0, buf1,
                  in_sem0, in_sem1, out_sem0, out_sem1):
        wid = lax.axis_index("s") * 2 + lax.axis_index("c")
        base = wid * _QPW
        pltpu.sync_copy(idx_hbm.at[pl.ds(base, _QPW)], idx_v)

        bufs = (buf0, buf1)
        in_sems = (in_sem0, in_sem1)
        out_sems = (out_sem0, out_sem1)
        stores = [None, None]
        for t in range(_NB):
            b = t % 2
            if stores[b] is not None:
                stores[b].wait()
            gather = pltpu.make_async_copy(
                x_hbm.at[idx_v.at[pl.ds(t * _B, _B)]], bufs[b], in_sems[b]
            )
            gather.start()
            gather.wait()
            store = pltpu.make_async_copy(
                bufs[b], out_hbm.at[pl.ds(base + t * _B, _B)], out_sems[b]
            )
            store.start()
            stores[b] = store
        for b in range(2):
            if stores[b] is not None:
                stores[b].wait()

    return sc_gather


_sc_gather = _make_sc_gather()


def kernel(x, bool_tensor):
    mask_i32 = bool_tensor.astype(jnp.int32)
    src = jnp.nonzero(mask_i32 == 0, size=_R)[0].astype(jnp.int32)
    q = lax.iota(jnp.int32, _Q)
    idx = src[q // _QPR] * _QPR + q % _QPR
    out = _sc_gather(x.reshape(_Q, _CH), idx)
    return out.reshape(_R, 64, 32768)

# --- scband reference (transcript-rebuilt; emitter-appended) ---
"""Pipeline reference for scband-my-model-61933428414919 (READ-ONLY COPY).

The authoritative reference and input builder live on the scoring server;
editing this copy changes nothing except your own understanding.
"""

import jax, jax.numpy as jnp
import numpy as np


def setup_inputs(seed: int = 0) -> dict:
    key = jax.random.key(seed)
    x = jax.random.normal(key, (3, 64, 32768), dtype=jnp.float32)
    # registered buffer: torch.zeros(3).bool() -> all False
    bool_tensor = jnp.zeros((3,), dtype=bool)
    return {"x": x, "bool_tensor": bool_tensor}


def reference(x, bool_tensor):
    # forward: x[~bool_tensor]  (boolean mask indexing along dim 0;
    # mask is all-True since buffer is all-False, so this selects all 3 rows)
    idx = jnp.nonzero(~bool_tensor, size=x.shape[0])[0]
    return x[idx]

if __name__ == "__main__":
    import jax
    _d = setup_inputs()
    print(jax.jit(kernel)(*tuple(_d.values())))

</pallas_src>

<mosaic_0001>
#map = affine_map<(d0, d1) -> (0, 0)>
#map1 = affine_map<(d0, d1) -> (0)>
module attributes {stable_mosaic.version = 14 : i64} {
  func.func @sc_gather(%arg0: i32, %arg1: i32, %arg2: memref<3072x2048xf32, #tpu.memory_space<hbm>>, %arg3: memref<3072xi32, #tpu.memory_space<hbm>>, %arg4: memref<3072x2048xf32, #tpu.memory_space<hbm>>, %arg5: memref<96xi32, #tpu.memory_space<vmem>>, %arg6: memref<24x2048xf32, #tpu.memory_space<vmem>>, %arg7: memref<24x2048xf32, #tpu.memory_space<vmem>>, %arg8: memref<!tpu.dma_semaphore, #tpu.memory_space<semaphore_mem>>, %arg9: memref<!tpu.dma_semaphore, #tpu.memory_space<semaphore_mem>>, %arg10: memref<!tpu.dma_semaphore, #tpu.memory_space<semaphore_mem>>, %arg11: memref<!tpu.dma_semaphore, #tpu.memory_space<semaphore_mem>>) attributes {dimension_semantics = [#tpu.dimension_semantics<core_parallel>, #tpu.dimension_semantics<subcore_parallel>], iteration_bounds = array<i64: 2, 16>, scalar_prefetch = 0 : i64, scratch_operands = 7 : i64, tpu.core_type = #tpu.core_type<sc_vector_subcore>, window_params = [{transform_indices = #map}, {transform_indices = #map1}, {transform_indices = #map}]} {
    %mul3A = arith.constant 2 : i32
    %mul3A_0 = arith.muli %arg1, %mul3A : i32
    %add3A = arith.addi %mul3A_0, %arg0 : i32
    %mul3A_1 = arith.constant 96 : i32
    %mul3A_2 = arith.muli %add3A, %mul3A_1 : i32
    "tpu.region"() ({
      %run_scoped3A = tpu.sem_alloc : memref<!tpu.dma_semaphore, #tpu.memory_space<semaphore_mem>>
      %dma_start3A_81 = tpu.memref_slice %arg3[%mul3A_2] : memref<3072xi32, #tpu.memory_space<hbm>> -> memref<96xi32, #tpu.memory_space<hbm>>
      %dma_start3A_82 = tpu.memref_slice %arg3[%mul3A_2] : memref<3072xi32, #tpu.memory_space<hbm>> -> memref<96xi32, #tpu.memory_space<hbm>>
      tpu.enqueue_dma source(%dma_start3A_82 : memref<96xi32, #tpu.memory_space<hbm>>) target(%arg5 : memref<96xi32, #tpu.memory_space<vmem>>) target_semaphore(%run_scoped3A : memref<!tpu.dma_semaphore, #tpu.memory_space<semaphore_mem>>)
      %dma_wait3A_83 = tpu.memref_slice %arg3[%mul3A_2] : memref<3072xi32, #tpu.memory_space<hbm>> -> memref<96xi32, #tpu.memory_space<hbm>>
      %dma_wait3A_84 = tpu.memref_slice %arg3[%mul3A_2] : memref<3072xi32, #tpu.memory_space<hbm>> -> memref<96xi32, #tpu.memory_space<hbm>>
      tpu.wait_dma2 semaphore(%run_scoped3A : memref<!tpu.dma_semaphore, #tpu.memory_space<semaphore_mem>>) src(%dma_wait3A_84 : memref<96xi32, #tpu.memory_space<hbm>>) dst(%arg5 : memref<96xi32, #tpu.memory_space<vmem>>)
      tpu.yield
    }) : () -> ()
    %dma_start3A = arith.constant 0 : i32
    %dma_start3A_3 = tpu.memref_slice %arg5[%dma_start3A] : memref<96xi32, #tpu.memory_space<vmem>> -> memref<24xi32, #tpu.memory_space<vmem>>
    %dma_start3A_4 = arith.constant 0 : i32
    %dma_start3A_5 = arith.constant 0 : i32
    %dma_start3A_6 = tpu.memref_slice %arg2[%dma_start3A_4, %dma_start3A_5] : memref<3072x2048xf32, #tpu.memory_space<hbm>> -> memref<3072x2048xf32, #tpu.memory_space<hbm>>
    tpu.enqueue_indirect_dma source(%dma_start3A_6 : memref<3072x2048xf32, #tpu.memory_space<hbm>>) target(%arg6 : memref<24x2048xf32, #tpu.memory_space<vmem>>) offsets(%dma_start3A_3 : memref<24xi32, #tpu.memory_space<vmem>>) semaphore(%arg8 : memref<!tpu.dma_semaphore, #tpu.memory_space<semaphore_mem>>)
    %dma_wait3A = arith.constant 0 : i32
    %dma_wait3A_7 = tpu.memref_slice %arg5[%dma_wait3A] : memref<96xi32, #tpu.memory_space<vmem>> -> memref<24xi32, #tpu.memory_space<vmem>>
    %dma_wait3A_8 = arith.constant 0 : i32
    %dma_wait3A_9 = arith.constant 0 : i32
    %dma_wait3A_10 = tpu.memref_slice %arg2[%dma_wait3A_8, %dma_wait3A_9] : memref<3072x2048xf32, #tpu.memory_space<hbm>> -> memref<3072x2048xf32, #tpu.memory_space<hbm>>
    tpu.wait_indirect_dma semaphore(%arg8 : memref<!tpu.dma_semaphore, #tpu.memory_space<semaphore_mem>>) src(%dma_wait3A_10 : memref<3072x2048xf32, #tpu.memory_space<hbm>>) dst(%arg6 : memref<24x2048xf32, #tpu.memory_space<vmem>>)
    %add3A_11 = arith.constant 0 : i32
    %add3A_12 = arith.addi %mul3A_2, %add3A_11 : i32
    %dma_start3A_13 = arith.constant 0 : i32
    %dma_start3A_14 = tpu.memref_slice %arg4[%add3A_12, %dma_start3A_13] : memref<3072x2048xf32, #tpu.memory_space<hbm>> -> memref<24x2048xf32, #tpu.memory_space<hbm>>
    %dma_start3A_15 = arith.constant 0 : i32
    %dma_start3A_16 = tpu.memref_slice %arg4[%add3A_12, %dma_start3A_15] : memref<3072x2048xf32, #tpu.memory_space<hbm>> -> memref<24x2048xf32, #tpu.memory_space<hbm>>
    tpu.enqueue_dma source(%arg6 : memref<24x2048xf32, #tpu.memory_space<vmem>>) target(%dma_start3A_16 : memref<24x2048xf32, #tpu.memory_space<hbm>>) target_semaphore(%arg10 : memref<!tpu.dma_semaphore, #tpu.memory_space<semaphore_mem>>)
    %dma_start3A_17 = arith.constant 24 : i32
    %dma_start3A_18 = tpu.memref_slice %arg5[%dma_start3A_17] : memref<96xi32, #tpu.memory_space<vmem>> -> memref<24xi32, #tpu.memory_space<vmem>>
    %dma_start3A_19 = arith.constant 0 : i32
    %dma_start3A_20 = arith.constant 0 : i32
    %dma_start3A_21 = tpu.memref_slice %arg2[%dma_start3A_19, %dma_start3A_20] : memref<3072x2048xf32, #tpu.memory_space<hbm>> -> memref<3072x2048xf32, #tpu.memory_space<hbm>>
    tpu.enqueue_indirect_dma source(%dma_start3A_21 : memref<3072x2048xf32, #tpu.memory_space<hbm>>) target(%arg7 : memref<24x2048xf32, #tpu.memory_space<vmem>>) offsets(%dma_start3A_18 : memref<24xi32, #tpu.memory_space<vmem>>) semaphore(%arg9 : memref<!tpu.dma_semaphore, #tpu.memory_space<semaphore_mem>>)
    %dma_wait3A_22 = arith.constant 24 : i32
    %dma_wait3A_23 = tpu.memref_slice %arg5[%dma_wait3A_22] : memref<96xi32, #tpu.memory_space<vmem>> -> memref<24xi32, #tpu.memory_space<vmem>>
    %dma_wait3A_24 = arith.constant 0 : i32
    %dma_wait3A_25 = arith.constant 0 : i32
    %dma_wait3A_26 = tpu.memref_slice %arg2[%dma_wait3A_24, %dma_wait3A_25] : memref<3072x2048xf32, #tpu.memory_space<hbm>> -> memref<3072x2048xf32, #tpu.memory_space<hbm>>
    tpu.wait_indirect_dma semaphore(%arg9 : memref<!tpu.dma_semaphore, #tpu.memory_space<semaphore_mem>>) src(%dma_wait3A_26 : memref<3072x2048xf32, #tpu.memory_space<hbm>>) dst(%arg7 : memref<24x2048xf32, #tpu.memory_space<vmem>>)
    %add3A_27 = arith.constant 24 : i32
    %add3A_28 = arith.addi %mul3A_2, %add3A_27 : i32
    %dma_start3A_29 = arith.constant 0 : i32
    %dma_start3A_30 = tpu.memref_slice %arg4[%add3A_28, %dma_start3A_29] : memref<3072x2048xf32, #tpu.memory_space<hbm>> -> memref<24x2048xf32, #tpu.memory_space<hbm>>
    %dma_start3A_31 = arith.constant 0 : i32
    %dma_start3A_32 = tpu.memref_slice %arg4[%add3A_28, %dma_start3A_31] : memref<3072x2048xf32, #tpu.memory_space<hbm>> -> memref<24x2048xf32, #tpu.memory_space<hbm>>
    tpu.enqueue_dma source(%arg7 : memref<24x2048xf32, #tpu.memory_space<vmem>>) target(%dma_start3A_32 : memref<24x2048xf32, #tpu.memory_space<hbm>>) target_semaphore(%arg11 : memref<!tpu.dma_semaphore, #tpu.memory_space<semaphore_mem>>)
    %dma_wait3A_33 = arith.constant 0 : i32
    %dma_wait3A_34 = tpu.memref_slice %arg4[%add3A_12, %dma_wait3A_33] : memref<3072x2048xf32, #tpu.memory_space<hbm>> -> memref<24x2048xf32, #tpu.memory_space<hbm>>
    %dma_wait3A_35 = arith.constant 0 : i32
    %dma_wait3A_36 = tpu.memref_slice %arg4[%add3A_12, %dma_wait3A_35] : memref<3072x2048xf32, #tpu.memory_space<hbm>> -> memref<24x2048xf32, #tpu.memory_space<hbm>>
    tpu.wait_dma2 semaphore(%arg10 : memref<!tpu.dma_semaphore, #tpu.memory_space<semaphore_mem>>) src(%arg6 : memref<24x2048xf32, #tpu.memory_space<vmem>>) dst(%dma_wait3A_36 : memref<24x2048xf32, #tpu.memory_space<hbm>>)
    %dma_start3A_37 = arith.constant 48 : i32
    %dma_start3A_38 = tpu.memref_slice %arg5[%dma_start3A_37] : memref<96xi32, #tpu.memory_space<vmem>> -> memref<24xi32, #tpu.memory_space<vmem>>
    %dma_start3A_39 = arith.constant 0 : i32
    %dma_start3A_40 = arith.constant 0 : i32
    %dma_start3A_41 = tpu.memref_slice %arg2[%dma_start3A_39, %dma_start3A_40] : memref<3072x2048xf32, #tpu.memory_space<hbm>> -> memref<3072x2048xf32, #tpu.memory_space<hbm>>
    tpu.enqueue_indirect_dma source(%dma_start3A_41 : memref<3072x2048xf32, #tpu.memory_space<hbm>>) target(%arg6 : memref<24x2048xf32, #tpu.memory_space<vmem>>) offsets(%dma_start3A_38 : memref<24xi32, #tpu.memory_space<vmem>>) semaphore(%arg8 : memref<!tpu.dma_semaphore, #tpu.memory_space<semaphore_mem>>)
    %dma_wait3A_42 = arith.constant 48 : i32
    %dma_wait3A_43 = tpu.memref_slice %arg5[%dma_wait3A_42] : memref<96xi32, #tpu.memory_space<vmem>> -> memref<24xi32, #tpu.memory_space<vmem>>
    %dma_wait3A_44 = arith.constant 0 : i32
    %dma_wait3A_45 = arith.constant 0 : i32
    %dma_wait3A_46 = tpu.memref_slice %arg2[%dma_wait3A_44, %dma_wait3A_45] : memref<3072x2048xf32, #tpu.memory_space<hbm>> -> memref<3072x2048xf32, #tpu.memory_space<hbm>>
    tpu.wait_indirect_dma semaphore(%arg8 : memref<!tpu.dma_semaphore, #tpu.memory_space<semaphore_mem>>) src(%dma_wait3A_46 : memref<3072x2048xf32, #tpu.memory_space<hbm>>) dst(%arg6 : memref<24x2048xf32, #tpu.memory_space<vmem>>)
    %add3A_47 = arith.constant 48 : i32
    %add3A_48 = arith.addi %mul3A_2, %add3A_47 : i32
    %dma_start3A_49 = arith.constant 0 : i32
    %dma_start3A_50 = tpu.memref_slice %arg4[%add3A_48, %dma_start3A_49] : memref<3072x2048xf32, #tpu.memory_space<hbm>> -> memref<24x2048xf32, #tpu.memory_space<hbm>>
    %dma_start3A_51 = arith.constant 0 : i32
    %dma_start3A_52 = tpu.memref_slice %arg4[%add3A_48, %dma_start3A_51] : memref<3072x2048xf32, #tpu.memory_space<hbm>> -> memref<24x2048xf32, #tpu.memory_space<hbm>>
    tpu.enqueue_dma source(%arg6 : memref<24x2048xf32, #tpu.memory_space<vmem>>) target(%dma_start3A_52 : memref<24x2048xf32, #tpu.memory_space<hbm>>) target_semaphore(%arg10 : memref<!tpu.dma_semaphore, #tpu.memory_space<semaphore_mem>>)
    %dma_wait3A_53 = arith.constant 0 : i32
    %dma_wait3A_54 = tpu.memref_slice %arg4[%add3A_28, %dma_wait3A_53] : memref<3072x2048xf32, #tpu.memory_space<hbm>> -> memref<24x2048xf32, #tpu.memory_space<hbm>>
    %dma_wait3A_55 = arith.constant 0 : i32
    %dma_wait3A_56 = tpu.memref_slice %arg4[%add3A_28, %dma_wait3A_55] : memref<3072x2048xf32, #tpu.memory_space<hbm>> -> memref<24x2048xf32, #tpu.memory_space<hbm>>
    tpu.wait_dma2 semaphore(%arg11 : memref<!tpu.dma_semaphore, #tpu.memory_space<semaphore_mem>>) src(%arg7 : memref<24x2048xf32, #tpu.memory_space<vmem>>) dst(%dma_wait3A_56 : memref<24x2048xf32, #tpu.memory_space<hbm>>)
    %dma_start3A_57 = arith.constant 72 : i32
    %dma_start3A_58 = tpu.memref_slice %arg5[%dma_start3A_57] : memref<96xi32, #tpu.memory_space<vmem>> -> memref<24xi32, #tpu.memory_space<vmem>>
    %dma_start3A_59 = arith.constant 0 : i32
    %dma_start3A_60 = arith.constant 0 : i32
    %dma_start3A_61 = tpu.memref_slice %arg2[%dma_start3A_59, %dma_start3A_60] : memref<3072x2048xf32, #tpu.memory_space<hbm>> -> memref<3072x2048xf32, #tpu.memory_space<hbm>>
    tpu.enqueue_indirect_dma source(%dma_start3A_61 : memref<3072x2048xf32, #tpu.memory_space<hbm>>) target(%arg7 : memref<24x2048xf32, #tpu.memory_space<vmem>>) offsets(%dma_start3A_58 : memref<24xi32, #tpu.memory_space<vmem>>) semaphore(%arg9 : memref<!tpu.dma_semaphore, #tpu.memory_space<semaphore_mem>>)
    %dma_wait3A_62 = arith.constant 72 : i32
    %dma_wait3A_63 = tpu.memref_slice %arg5[%dma_wait3A_62] : memref<96xi32, #tpu.memory_space<vmem>> -> memref<24xi32, #tpu.memory_space<vmem>>
    %dma_wait3A_64 = arith.constant 0 : i32
    %dma_wait3A_65 = arith.constant 0 : i32
    %dma_wait3A_66 = tpu.memref_slice %arg2[%dma_wait3A_64, %dma_wait3A_65] : memref<3072x2048xf32, #tpu.memory_space<hbm>> -> memref<3072x2048xf32, #tpu.memory_space<hbm>>
    tpu.wait_indirect_dma semaphore(%arg9 : memref<!tpu.dma_semaphore, #tpu.memory_space<semaphore_mem>>) src(%dma_wait3A_66 : memref<3072x2048xf32, #tpu.memory_space<hbm>>) dst(%arg7 : memref<24x2048xf32, #tpu.memory_space<vmem>>)
    %add3A_67 = arith.constant 72 : i32
    %add3A_68 = arith.addi %mul3A_2, %add3A_67 : i32
    %dma_start3A_69 = arith.constant 0 : i32
    %dma_start3A_70 = tpu.memref_slice %arg4[%add3A_68, %dma_start3A_69] : memref<3072x2048xf32, #tpu.memory_space<hbm>> -> memref<24x2048xf32, #tpu.memory_space<hbm>>
    %dma_start3A_71 = arith.constant 0 : i32
    %dma_start3A_72 = tpu.memref_slice %arg4[%add3A_68, %dma_start3A_71] : memref<3072x2048xf32, #tpu.memory_space<hbm>> -> memref<24x2048xf32, #tpu.memory_space<hbm>>
    tpu.enqueue_dma source(%arg7 : memref<24x2048xf32, #tpu.memory_space<vmem>>) target(%dma_start3A_72 : memref<24x2048xf32, #tpu.memory_space<hbm>>) target_semaphore(%arg11 : memref<!tpu.dma_semaphore, #tpu.memory_space<semaphore_mem>>)
    %dma_wait3A_73 = arith.constant 0 : i32
    %dma_wait3A_74 = tpu.memref_slice %arg4[%add3A_48, %dma_wait3A_73] : memref<3072x2048xf32, #tpu.memory_space<hbm>> -> memref<24x2048xf32, #tpu.memory_space<hbm>>
    %dma_wait3A_75 = arith.constant 0 : i32
    %dma_wait3A_76 = tpu.memref_slice %arg4[%add3A_48, %dma_wait3A_75] : memref<3072x2048xf32, #tpu.memory_space<hbm>> -> memref<24x2048xf32, #tpu.memory_space<hbm>>
    tpu.wait_dma2 semaphore(%arg10 : memref<!tpu.dma_semaphore, #tpu.memory_space<semaphore_mem>>) src(%arg6 : memref<24x2048xf32, #tpu.memory_space<vmem>>) dst(%dma_wait3A_76 : memref<24x2048xf32, #tpu.memory_space<hbm>>)
    %dma_wait3A_77 = arith.constant 0 : i32
    %dma_wait3A_78 = tpu.memref_slice %arg4[%add3A_68, %dma_wait3A_77] : memref<3072x2048xf32, #tpu.memory_space<hbm>> -> memref<24x2048xf32, #tpu.memory_space<hbm>>
    %dma_wait3A_79 = arith.constant 0 : i32
    %dma_wait3A_80 = tpu.memref_slice %arg4[%add3A_68, %dma_wait3A_79] : memref<3072x2048xf32, #tpu.memory_space<hbm>> -> memref<24x2048xf32, #tpu.memory_space<hbm>>
    tpu.wait_dma2 semaphore(%arg11 : memref<!tpu.dma_semaphore, #tpu.memory_space<semaphore_mem>>) src(%arg7 : memref<24x2048xf32, #tpu.memory_space<vmem>>) dst(%dma_wait3A_80 : memref<24x2048xf32, #tpu.memory_space<hbm>>)
    return
  }
}

</mosaic_0001>

<sc_bundles>
// kernel: kernel.3.cloned.1.call-start
scs
__scs_entry_jumppad:
0x0: {  	(pc) =	sbr.rel $0x88, $3  }
0x1: {  	(tag) =	ssettag $0x0;
	lr =	simm.s32 $0x1  }
0x2: {  	[smem:$0x3F9F] =	sst lr;
	_ =	strace $0xD0000000  }
0x3: {  	_ = 	snop  }
0x4: {  	_ = 	snop  }
0x5: {  	_ = 	snop  }
0x6: {  	_ = 	snop  }
0x7: {  	_ = 	snop  }
__scs_overlays_trampoline_lowered:
0x8: {  	[smem:$0x3FAE] =	sst s0  }
0x9: {  	[smem:$0x3FAF] =	sst s1  }
0xa: {  	[smem:$0x3FB0] =	sst s2  }
0xb: {  	[smem:$0x3FB1] =	sst s3  }
0xc: {  	[smem:$0x3FB2] =	sst s4  }
0xd: {  	[smem:$0x3FB3] =	sst s5  }
0xe: {  	[smem:$0x3FB4] =	sst s6  }
0xf: {  	[smem:$0x3FB5] =	sst s7  }
0x10: {  	[smem:$0x3FB6] =	sst s8  }
0x11: {  	[smem:$0x3FB7] =	sst s9;
	s0 =	simm.s32 @!p0 $0x0  }
0x12: {  	s1 =	sld [smem:$0x3F9D];
	s0 =	simm.s32 @p0 $0x1  }
0x13: {  	[smem:$0x3FB8] =	sst s0;
	s0 =	simm.s32 @!p1 $0x0  }
0x14: {  	s2 =	sld [smem:$0x3F9C];
	s0 =	simm.s32 @p1 $0x1  }
0x15: {  	[smem:$0x3FB9] =	sst s0;
	s0 =	simm.s32 @!p2 $0x0  }
0x16: {  	s3 =	sld [smem:$0x3FDB];
	s0 =	simm.s32 @p2 $0x1  }
0x17: {  	s4 =	simm.s32 $0x1BF5;
	[smem:$0x3FBB] =	sst s0  }
0x18: {  	s0 =	sld [smem:$0x3F9E];
	_ =	swait.ge [sflag:s4], $0x0  }
0x19: {  	s7 =	sld [smem:$0x3F9F]  }
0x1a: {  	s8 =	sadd.s32 $0xFFFFE003, lr  }
0x1b: {  	s9 =	sadd.s32 $0xFFFFFEF7, lr;
	s5 =	simm.s32 $0xFFFFFFFF;
	p2 =	slt.u32 s8, $0xFFFFF086  }
0x1c: {  	p1 =	slt.u32 s9, $0xF7A;
	s5 =	simm.s32 @!p2 $0x0  }
0x1d: {  	s5 =	simm.s32 @p1 $0x1;
	p0 =	seq.s32 s7, s2  }
0x1e: {  	s7 =	smul.u32 @!p0 $0xF7A, s2;
	p2 =	seq.s32 @!p0 s5, $0x0  }
0x1f: {  	s9 =	smul.u32 $0xF7A, s1;
	s8 =	simm.s32 @!p0 $0x1BF5;
	p2 =	por !p2, p0  }
0x20: {  	[sflag:s8] =	ssyncset.s32 @!p0 $0xFFFFF086;
	s6 =	sadd.s32 @!p0 s3, s7;
	s7 =	simm.s32 @!p0 $0x108  }
0x21: {  	s3 =	sadd.s32 s3, s9;
	s6 =	sadd.s32 @!p0 $0x88, s6;
	s7 =	simm.s32 @p2 $0x1082  }
0x22: {  	[simem:s7], [sflag:s8] =	dma.local @!p0 [hbm:s6], $0xF7A  }
0x23: {  	s9 =	sor.u32 $0xD0000000, s2;
	s6 =	simm.s32 $0x108;
	_ =	swait.ge @!p0 [sflag:s8], $0x0  }
0x24: {  	s3 =	sadd.s32 $0x88, s3;
	s6 =	simm.s32 @!p1 $0x1082;
	[sflag:s4] =	ssyncset.s32 $0xFFFFF086  }
0x25: {  	[simem:s6], [sflag:s4] =	dma.local [hbm:s3], $0xF7A  }
0x26: {  	[smem:$0x3F9F] =	sst s1;
	(tag) =	ssettag s2;
	_ =	strace s9  }
0x27: {  	s1 =	sld [smem:$0x3FAF]  }
0x28: {  	s2 =	sld [smem:$0x3FB0]  }
0x29: {  	s4 =	sld [smem:$0x3FB2]  }
0x2a: {  	p0 =	seq.s32 s5, $0x0;
	s5 =	sld [smem:$0x3FB3]  }
0x2b: {  	s6 =	sld [smem:$0x3FB4]  }
0x2c: {  	s7 =	sld [smem:$0x3FB5]  }
0x2d: {  	s3 =	simm.s32 $0x108;
	s8 =	sld [smem:$0x3FB6]  }
0x2e: {  	s3 =	simm.s32 @!p0 $0x1082;
	s9 =	sld [smem:$0x3FB7]  }
0x2f: {  	lr =	sadd.s32 s0, s3;
	s0 =	sld [smem:$0x3FAE]  }
0x30: {  	s3 =	sld [smem:$0x3FB1]  }
0x31: {  	[smem:$0x3FBA] =	sst s10  }
0x32: {  	s10 =	sld [smem:$0x3FB8];
	_ =	sdelay $0x3  }
0x33: {  	p0 =	seq.s32 s10, $0x1;
	s10 =	sld [smem:$0x3FBA];
	_ =	sdelay $0x3  }
0x34: {  	[smem:$0x3FBA] =	sst s10  }
0x35: {  	s10 =	sld [smem:$0x3FB9];
	_ =	sdelay $0x3  }
0x36: {  	p1 =	seq.s32 s10, $0x1;
	s10 =	sld [smem:$0x3FBA];
	_ =	sdelay $0x3  }
0x37: {  	[smem:$0x3FBA] =	sst s10  }
0x38: {  	s10 =	sld [smem:$0x3FBB]  }
0x39: {  	_ = 	snop;
	(pc) =	sbr.ind lr, $3  }
0x3a: {  	_ = 	snop  }
0x3b: {  	_ = 	snop  }
0x3c: {  	p2 =	seq.s32 s10, $0x1;
	s10 =	sld [smem:$0x3FBA]  }
0x3d: {  	_ =	shalt  }
0x3e: {  	_ =	shalt  }
0x3f: {  	_ =	shalt  }
0x40: {  	_ =	shalt  }
0x41: {  	_ =	shalt  }
0x42: {  	_ =	shalt  }
0x43: {  	_ =	shalt  }
0x44: {  	_ =	shalt  }
0x45: {  	_ =	shalt  }
0x46: {  	_ =	shalt  }
0x47: {  	_ =	shalt  }
0x48: {  	_ =	shalt  }
0x49: {  	_ =	shalt  }
0x4a: {  	_ =	shalt  }
0x4b: {  	_ =	shalt  }
0x4c: {  	_ =	shalt  }
0x4d: {  	_ =	shalt  }
0x4e: {  	_ =	shalt  }
0x4f: {  	_ =	shalt  }
0x50: {  	_ =	shalt  }
0x51: {  	_ =	shalt  }
0x52: {  	_ =	shalt  }
0x53: {  	_ =	shalt  }
0x54: {  	_ =	shalt  }
0x55: {  	_ =	shalt  }
0x56: {  	_ =	shalt  }
0x57: {  	_ =	shalt  }
0x58: {  	_ =	shalt  }
0x59: {  	_ =	shalt  }
0x5a: {  	_ =	shalt  }
0x5b: {  	_ =	shalt  }
0x5c: {  	_ =	shalt  }
0x5d: {  	_ =	shalt  }
0x5e: {  	_ =	shalt  }
0x5f: {  	_ =	shalt  }
0x60: {  	_ =	shalt  }
0x61: {  	_ =	shalt  }
0x62: {  	_ =	shalt  }
0x63: {  	_ =	shalt  }
0x64: {  	_ =	shalt  }
0x65: {  	_ =	shalt  }
0x66: {  	_ =	shalt  }
0x67: {  	_ =	shalt  }
0x68: {  	_ =	shalt  }
0x69: {  	_ =	shalt  }
0x6a: {  	_ =	shalt  }
0x6b: {  	_ =	shalt  }
0x6c: {  	_ =	shalt  }
0x6d: {  	_ =	shalt  }
0x6e: {  	_ =	shalt  }
0x6f: {  	_ =	shalt  }
0x70: {  	_ =	shalt  }
0x71: {  	_ =	shalt  }
0x72: {  	_ =	shalt  }
0x73: {  	_ =	shalt  }
0x74: {  	_ =	shalt  }
0x75: {  	_ =	shalt  }
0x76: {  	_ =	shalt  }
0x77: {  	_ =	shalt  }
0x78: {  	_ =	shalt  }
0x79: {  	_ =	shalt  }
0x7a: {  	_ =	shalt  }
0x7b: {  	_ =	shalt  }
0x7c: {  	_ =	shalt  }
0x7d: {  	_ =	shalt  }
0x7e: {  	_ =	shalt  }
0x7f: {  	_ =	shalt  }
0x80: {  	_ =	shalt  }
0x81: {  	_ =	shalt  }
0x82: {  	_ =	shalt  }
0x83: {  	_ =	shalt  }
0x84: {  	_ =	shalt  }
0x85: {  	_ =	shalt  }
0x86: {  	_ =	shalt  }
0x87: {  	_ =	shalt  }
.Lfunc_end0:
.L_simem_size_0:
called_computation_lowered:
.L_overlay_start_0:
0x88: {  	s2 =	sld [smem:$0x3FD9]  }
0x89: {  	s3 =	sld [smem:$0x3FFE];
	_ =	sdelay $0x1  }
0x8a: {  	s1 =	srdreg.scid  }
0x8b: {  	s0 =	sand.u32 $0x1, s1  }
0x8c: {  	s17 =	sshll.u32 s0, $0xA;
	s2 =	sadd.s32 s3, s2  }
0x8d: {  	s2 =	sadd.s32 s2, s17  }
0x8e: {  	[smem:$0x3FC6] =	sst s2  }
0x8f: {  	_ = 	snop  }
0x90: {  	s2 =	sld [smem:$0x3FD0];
	(tm) =	ssettm $0x1  }
0x91: {  	s18 =	sld [smem:$0x3FFB];
	_ =	sdelay $0x3  }
0x92: {  	_ =	strace s18  }
0x93: {  	s3 =	sld [smem:$0x3FFC];
	_ =	sdelay $0x3  }
0x94: {  	_ =	strace s3  }
0x95: {  	s3 =	sld [smem:$0x3FFD];
	_ =	sdelay $0x3  }
0x96: {  	_ =	strace s3  }
0x97: {  	_ =	strace $0x8FFFFFFF  }
0x98: {  	s19 =	sld [smem:$0x3FDB];
	_ =	sdelay $0x1  }
0x99: {  	s4 =	simm.s32 $_scs_section_size  }
0x9a: {  	s5 =	simm.s32 $_size__tile_overlayer_lowered;
	s6 =	simm.s32 $_tile_overlayer_lowered  }
0x9b: {  	s22 =	simm.s32 $0x1BFF;
	s21 =	sshll.u32 s6, $0x1;
	s3 =	sadd.s32 s4, s19  }
0x9c: {  	s7 =	simm.s32 $0x0;
	s20 =	sshll.u32 s5, $0x1;
	s5 =	sadd.s32 s21, s3  }
0x9d: {  	[timem:s7], [sflag:s22] =	dma.local [hbm:s5], s20  }
0x9e: {  	_ =	swait.ge [sflag:s22], s20  }
0x9f: {  	s4 =	ssub.s32 $0x0, s20;
	[sflag:s22] =	ssyncset.done $0x0  }
0xa0: {  	[sflag:s22] =	ssyncadd.s32 s4;
	_ =	sdelay $0x1  }
0xa1: {  	s23 =	simm.s32 $0x1B8B  }
0xa2: {  	_ =	swait.ge [sflag:s23], $0x1  }
0xa3: {  	[sflag:s23] =	ssyncset.done $0x0  }
0xa4: {  	s25 =	simm.s32 $0x1B8E;
	s24 =	sld [smem:$0x3FFE];
	[sflag:s23] =	ssyncadd.s32 $0xFFFFFFFF  }
0xa5: {  	s26 =	simm.s32 $execute0_lowered;
	[smem:$0x3FD2] =	sst s25  }
0xa6: {  	s5 =	sshll.u32 s26, $0x1;
	_ =	strace $0x80000046;
	[dreg:$0x1] =	wrdreg $0xFFFFFFFF  }
0xa7: {  	s28 =	simm.s32 $_size_execute0_lowered;
	s3 =	sadd.s32 s3, s5;
	[dreg:$0x0] =	wrdreg $0x0  }
0xa8: {  	s5 =	sshll.u32 s28, $0x1;
	[dreg:$0x2] =	wrdreg s3  }
0xa9: {  	[dreg:$0x3] =	wrdreg s5  }
0xaa: {  	[dreg:$0x4] =	wrdreg $0xC0  }
0xab: {  	_ =	task [dreg:s7], $0x5FFFF  }
0xac: {  	[dreg:$0x1] =	wrdreg $0xFFFFFFFF  }
0xad: {  	[dreg:$0x0] =	wrdreg $0x60  }
0xae: {  	[dreg:$0x2] =	wrdreg s2  }
0xaf: {  	[dreg:$0x3] =	wrdreg s24  }
0xb0: {  	[dreg:$0x4] =	wrdreg $0x9  }
0xb1: {  	_ =	task.clear_ibuf [dreg:s7], $0x5FFFF;
	_ =	strace $0x90000046  }
0xb2: {  	s29 =	simm.s32 $0x9;
	_ =	strace $0x80000048  }
0xb3: {  	_ =	swait.ge [sflag:s29], $0x1  }
0xb4: {  	[sflag:s29] =	ssyncadd.s32 $0xFFFFFFFF  }
0xb5: {  	_ =	strace $0x90000048  }
0xb6: {  	_ =	sfence  }
0xb7: {  	s30 =	sld [smem:$0x0];
	_ =	sdelay $0x2  }
0xb8: {  	s31 =	sshll.u32 s1, $0xD;
	s1 =	sshrl.u32 s1, $0x2  }
0xb9: {  	s3 =	sand.u32 $0x4000, s31;
	s1 =	sadd.s32 s1, s30  }
0xba: {  	s0 =	sor.u32 s3, s0;
	s1 =	sshll.u32 s1, $0x11  }
0xbb: {  	s0 =	sor.u32 s1, s0  }
0xbc: {  	s0 =	sadd.s32 $0x8F2B, s0  }
0xbd: {  	[sflag:s0] =	ssyncadd.remote.s32 $0x1  }
0xbe: {  	_ =	sfence.sel $0xFFFF  }
0xbf: {  	[dreg:$0x0] =	wrdreg $0xFFFFFFFF;
	(pc) =	sbr.abs _section_cstart, $3  }
0xc0: {  	[dreg:$0x1] =	wrdreg $0xFFFFFFFF  }
0xc1: {  	_ =	task.clear_ibuf [dreg:s7], $0x2FFFF;
	_ =	strace $0x9FFFFFFF  }
0xc2: {  	(tm) =	ssettm $0x7FFFFFFF  }
0xc3: {  	_ =	shalt  }
tec
execute0_lowered:
.L_overlay_start_1:
0x0: {  	(tag) =	ssettag $0x1  }
0x1: {  	s2 =	rddreg [dreg:$0x0]  }
0x2: {  	s0 =	rddreg [dreg:$0x1]  }
0x3: {  	s1 =	srdreg.scid;
	s4 =	stileid.u32  }
0x4: {  	s3 =	simm.s32 $0x0;
	s28 =	simm.s32 $0x2;
	s29 =	simm.s32 $0x3  }
0x5: {  	s30 =	simm.s32 $0x4;
	s20 =	simm.s32 $0x80;
	s15 =	simm.s32 $0x2080  }
0x6: {  	s16 =	simm.s32 $0x2880;
	s17 =	simm.s32 $0x3080;
	s18 =	simm.s32 $0x3880  }
0x7: {  	s21 =	simm.s32 $0x4080;
	s22 =	simm.s32 $0x4880;
	s23 =	simm.s32 $0x5080  }
0x8: {  	s24 =	simm.s32 $0x5880;
	s13 =	simm.s32 $0x7080;
	s14 =	simm.s32 $0x7880  }
0x9: {  	s19 =	simm.s32 $0x8080;
	s1 =	sand.u32 $0x1, s1;
	s4 =	sshll.u32 s4, $0x1  }
0xa: {  	[smem:$0x7FF] =	sst s3;
	s6 =	sadd.s32 $0x200, s0;
	s4 =	sor.u32 s1, s4  }
0xb: {  	s10 =	sadd.s32 $0x600, s2;
	s11 =	sadd.s32 $0x700, s2;
	s5 =	smul.u32 $0xC, s4  }
0xc: {  	_ =	strace $0x80000047;
	s1 =	ssub.s32 $0x2, s1;
	s7 =	smul.u32 $0x6000, s4  }
0xd: {  	s8 =	sshrl.u32 s1, $0x1;
	s9 =	smul.u32 $0x30000, s4;
	s4 =	sadd.s32 $0x100, s2  }
0xe: {  	s1 =	ssub.s32 s1, s8;
	s8 =	sadd.s32 $0x400, s2;
	s0 =	sadd.s32 s0, s5  }
0xf: {  	s5 =	sadd.s32 $0x200, s2;
	s25 =	sadd.s32 s6, s7;
	s26 =	sshrl.u32 s9, $0x3  }
0x10: {  	s7 =	sadd.s32 $0x300, s2;
	s9 =	sadd.s32 $0x500, s2;
	[dreg:$0x3] =	wrdreg s0  }
0x11: {  	[dreg:$0x7] =	wrdreg s25;
	s31 =	sadd.s32 $0x1800, s25;
	s0 =	sadd.s32 s6, s26  }
0x12: {  	v2 =	vlaneseq.u32;
	s12 =	smax.u32 s1, $0x1;
	[dreg:$0x4] =	wrdreg s31;
	s6 =	sadd.s32 $0x3000, s0  }
0x13: {  	vm0 =	vmmov $0xffff;
	v1 =	vshrl.u32 v2, $0x3;
	s1 =	simm.s32 $0xC080;
	s0 =	sadd.s32 $0x4800, s0;
	[dreg:$0x5] =	wrdreg s6  }
0x14: {  	v0 =	vand.u32 $0x7, v2;
	v2 =	vor.u32 $0x8, v2;
	v1 =	vmul.u32 $0x8, v1;
	s25 =	simm.s32 $0x6080;
	s26 =	simm.s32 $0x6880;
	[dreg:$0x6] =	wrdreg s0  }
.LBB2_1:
0x15: {  	s31 =	rddreg [dreg:$0x3];
	s0 =	simm.s32 $0x5  }
0x16: {  	[tilespmem:s3], [sflag:$0x5] =	stream.linear.gather [hbm4b:s31+s3], $0x60, $0x38;
	[tilespmem:$0x18080] =	vst v63  }
0x17: {  	_ =	swait.ge [sflag:s0], $0x60  }
0x18: {  	[sflag:s0] =	ssyncset.done $0x0  }
0x19: {  	[sflag:s0] =	ssyncadd.s32 $0xFFFFFFA0  }
0x1a: {  	v3 =	vld [tilespmem:$0x0];
	_ =	sdelay $0x4  }
0x1b: {  	v4 =	vshll.u32 v3, $0x4  }
0x1c: {  	v3 =	vand.u32 $0x7, v3;
	v4 =	vand.u32 $0xFFFFFF80, v4  }
0x1d: {  	v3 =	vor.u32 v3, v4  }
0x1e: {  	v4 =	vperm.xlane v3, v0;
	_ =	sdelay $0x1  }
0x1f: {  	v4 =	vadd.s32 v1, v4;
	_ =	sdelay $0x4  }
0x20: {  	[tilespmem:s20], [sflag:$0x1] =	stream.indirect_vreg.gather [hbm4b:s2+s3], $0x80, v4, vm0, $0xb8;
	[tilespmem:$0x18080] =	vst v63  }
0x21: {  	s31 =	simm.s32 $0x880  }
0x22: {  	[tilespmem:s31], [sflag:$0x1] =	stream.indirect_vreg.gather [hbm4b:s4+s3], $0x80, v4, vm0, $0xb8;
	[tilespmem:$0x18080] =	vst v63  }
0x23: {  	s6 =	simm.s32 $0x1080  }
0x24: {  	[tilespmem:s6], [sflag:$0x1] =	stream.indirect_vreg.gather [hbm4b:s5+s3], $0x80, v4, vm0, $0xb8;
	[tilespmem:$0x18080] =	vst v63  }
0x25: {  	s6 =	simm.s32 $0x1880  }
0x26: {  	[tilespmem:s6], [sflag:$0x1] =	stream.indirect_vreg.gather [hbm4b:s7+s3], $0x80, v4, vm0, $0xb8;
	[tilespmem:$0x18080] =	vst v63  }
0x27: {  	_ = 	snop  }
0x28: {  	[tilespmem:s15], [sflag:$0x1] =	stream.indirect_vreg.gather [hbm4b:s8+s3], $0x80, v4, vm0, $0xb8;
	[tilespmem:$0x18080] =	vst v63  }
0x29: {  	v3 =	vperm.xlane v3, v2  }
0x2a: {  	[tilespmem:s16], [sflag:$0x1] =	stream.indirect_vreg.gather [hbm4b:s9+s3], $0x80, v4, vm0, $0xb8;
	[tilespmem:$0x18080] =	vst v63  }
0x2b: {  	v3 =	vadd.s32 v1, v3  }
0x2c: {  	[tilespmem:s17], [sflag:$0x1] =	stream.indirect_vreg.gather [hbm4b:s10+s3], $0x80, v4, vm0, $0xb8;
	[tilespmem:$0x18080] =	vst v63  }
0x2d: {  	_ = 	snop  }
0x2e: {  	[tilespmem:s18], [sflag:$0x1] =	stream.indirect_vreg.gather [hbm4b:s11+s3], $0x80, v4, vm0, $0xb8;
	[tilespmem:$0x18080] =	vst v63  }
0x2f: {  	_ = 	snop  }
0x30: {  	[tilespmem:s21], [sflag:$0x1] =	stream.indirect_vreg.gather [hbm4b:s2+s3], $0x80, v3, vm0, $0xb8;
	[tilespmem:$0x18080] =	vst v63  }
0x31: {  	_ = 	snop  }
0x32: {  	[tilespmem:s22], [sflag:$0x1] =	stream.indirect_vreg.gather [hbm4b:s4+s3], $0x80, v3, vm0, $0xb8;
	[tilespmem:$0x18080] =	vst v63  }
0x33: {  	_ = 	snop  }
0x34: {  	[tilespmem:s23], [sflag:$0x1] =	stream.indirect_vreg.gather [hbm4b:s5+s3], $0x80, v3, vm0, $0xb8;
	[tilespmem:$0x18080] =	vst v63  }
0x35: {  	_ = 	snop  }
0x36: {  	[tilespmem:s24], [sflag:$0x1] =	stream.indirect_vreg.gather [hbm4b:s7+s3], $0x80, v3, vm0, $0xb8;
	[tilespmem:$0x18080] =	vst v63  }
0x37: {  	_ = 	snop  }
0x38: {  	[tilespmem:s25], [sflag:$0x1] =	stream.indirect_vreg.gather [hbm4b:s8+s3], $0x80, v3, vm0, $0xb8;
	[tilespmem:$0x18080] =	vst v63  }
0x39: {  	_ = 	snop  }
0x3a: {  	[tilespmem:s26], [sflag:$0x1] =	stream.indirect_vreg.gather [hbm4b:s9+s3], $0x80, v3, vm0, $0xb8;
	[tilespmem:$0x18080] =	vst v63  }
0x3b: {  	_ = 	snop  }
0x3c: {  	[tilespmem:s13], [sflag:$0x1] =	stream.indirect_vreg.gather [hbm4b:s10+s3], $0x80, v3, vm0, $0xb8;
	[tilespmem:$0x18080] =	vst v63  }
0x3d: {  	_ = 	snop  }
0x3e: {  	[tilespmem:s14], [sflag:$0x1] =	stream.indirect_vreg.gather [hbm4b:s11+s3], $0x80, v3, vm0, $0xb8;
	[tilespmem:$0x18080] =	vst v63  }
0x3f: {  	v3 =	vld.msk [tilespmem:$0x10], $0xff;
	_ =	sdelay $0x4  }
0x40: {  	v57 =	vshll.u32 v3, $0x4  }
0x41: {  	v3 =	vand.u32 $0x7, v3;
	v4 =	vand.u32 $0xFFFFFF80, v57  }
0x42: {  	v3 =	vor.u32 v3, v4  }
0x43: {  	v3 =	vperm.xlane v3, v0;
	_ =	sdelay $0x1  }
0x44: {  	v3 =	vadd.s32 v1, v3;
	_ =	sdelay $0x4  }
0x45: {  	[tilespmem:s19], [sflag:$0x1] =	stream.indirect_vreg.gather [hbm4b:s2+s3], $0x80, v3, vm0, $0xb8;
	[tilespmem:$0x18080] =	vst v63  }
0x46: {  	s31 =	simm.s32 $0x8880  }
0x47: {  	[tilespmem:s31], [sflag:$0x1] =	stream.indirect_vreg.gather [hbm4b:s4+s3], $0x80, v3, vm0, $0xb8;
	[tilespmem:$0x18080] =	vst v63  }
0x48: {  	s31 =	simm.s32 $0x9080  }
0x49: {  	[tilespmem:s31], [sflag:$0x1] =	stream.indirect_vreg.gather [hbm4b:s5+s3], $0x80, v3, vm0, $0xb8;
	[tilespmem:$0x18080] =	vst v63  }
0x4a: {  	s31 =	simm.s32 $0x9880  }
0x4b: {  	[tilespmem:s31], [sflag:$0x1] =	stream.indirect_vreg.gather [hbm4b:s7+s3], $0x80, v3, vm0, $0xb8;
	[tilespmem:$0x18080] =	vst v63  }
0x4c: {  	s31 =	simm.s32 $0xA080  }
0x4d: {  	[tilespmem:s31], [sflag:$0x1] =	stream.indirect_vreg.gather [hbm4b:s8+s3], $0x80, v3, vm0, $0xb8;
	[tilespmem:$0x18080] =	vst v63  }
0x4e: {  	s31 =	simm.s32 $0xA880  }
0x4f: {  	[tilespmem:s31], [sflag:$0x1] =	stream.indirect_vreg.gather [hbm4b:s9+s3], $0x80, v3, vm0, $0xb8;
	[tilespmem:$0x18080] =	vst v63  }
0x50: {  	s31 =	simm.s32 $0xB080  }
0x51: {  	[tilespmem:s31], [sflag:$0x1] =	stream.indirect_vreg.gather [hbm4b:s10+s3], $0x80, v3, vm0, $0xb8;
	[tilespmem:$0x18080] =	vst v63  }
0x52: {  	s0 =	simm.s32 $0x1;
	s31 =	simm.s32 $0xB880  }
0x53: {  	[tilespmem:s31], [sflag:$0x1] =	stream.indirect_vreg.gather [hbm4b:s11+s3], $0x80, v3, vm0, $0xb8;
	[tilespmem:$0x18080] =	vst v63  }
0x54: {  	_ =	swait.ge [sflag:s0], $0xC000  }
0x55: {  	[sflag:s0] =	ssyncset.done $0x0  }
0x56: {  	s31 =	rddreg [dreg:$0x7];
	[sflag:s0] =	ssyncadd.s32 $0xFFFF4000  }
0x57: {  	[hbm4b:s31+s3] =	stream.linear.scatter [tilespmem:s20], [sflag:$0x3], $0xC000, $0x38;
	[tilespmem:$0x18080] =	vst v63  }
0x58: {  	v3 =	vld [tilespmem:$0x18];
	_ =	sdelay $0x4  }
0x59: {  	v58 =	vshll.u32 v3, $0x4  }
0x5a: {  	v3 =	vand.u32 $0x7, v3;
	v4 =	vand.u32 $0xFFFFFF80, v58  }
0x5b: {  	v3 =	vor.u32 v3, v4  }
0x5c: {  	v4 =	vperm.xlane v3, v0;
	_ =	sdelay $0x1  }
0x5d: {  	v4 =	vadd.s32 v1, v4;
	_ =	sdelay $0x4  }
0x5e: {  	[tilespmem:s1], [sflag:$0x2] =	stream.indirect_vreg.gather [hbm4b:s2+s3], $0x80, v4, vm0, $0xb8;
	[tilespmem:$0x18080] =	vst v63  }
0x5f: {  	s31 =	simm.s32 $0xC880  }
0x60: {  	[tilespmem:s31], [sflag:$0x2] =	stream.indirect_vreg.gather [hbm4b:s4+s3], $0x80, v4, vm0, $0xb8;
	[tilespmem:$0x18080] =	vst v63  }
0x61: {  	s31 =	simm.s32 $0xD080  }
0x62: {  	[tilespmem:s31], [sflag:$0x2] =	stream.indirect_vreg.gather [hbm4b:s5+s3], $0x80, v4, vm0, $0xb8;
	[tilespmem:$0x18080] =	vst v63  }
0x63: {  	s31 =	simm.s32 $0xD880  }
0x64: {  	[tilespmem:s31], [sflag:$0x2] =	stream.indirect_vreg.gather [hbm4b:s7+s3], $0x80, v4, vm0, $0xb8;
	[tilespmem:$0x18080] =	vst v63  }
0x65: {  	s31 =	simm.s32 $0xE080  }
0x66: {  	[tilespmem:s31], [sflag:$0x2] =	stream.indirect_vreg.gather [hbm4b:s8+s3], $0x80, v4, vm0, $0xb8;
	[tilespmem:$0x18080] =	vst v63  }
0x67: {  	v3 =	vperm.xlane v3, v2;
	s31 =	simm.s32 $0xE880  }
0x68: {  	[tilespmem:s31], [sflag:$0x2] =	stream.indirect_vreg.gather [hbm4b:s9+s3], $0x80, v4, vm0, $0xb8;
	[tilespmem:$0x18080] =	vst v63  }
0x69: {  	v3 =	vadd.s32 v1, v3;
	s31 =	simm.s32 $0xF080  }
0x6a: {  	[tilespmem:s31], [sflag:$0x2] =	stream.indirect_vreg.gather [hbm4b:s10+s3], $0x80, v4, vm0, $0xb8;
	[tilespmem:$0x18080] =	vst v63  }
0x6b: {  	s31 =	simm.s32 $0xF880  }
0x6c: {  	[tilespmem:s31], [sflag:$0x2] =	stream.indirect_vreg.gather [hbm4b:s11+s3], $0x80, v4, vm0, $0xb8;
	[tilespmem:$0x18080] =	vst v63  }
0x6d: {  	s31 =	simm.s32 $0x10080  }
0x6e: {  	[tilespmem:s31], [sflag:$0x2] =	stream.indirect_vreg.gather [hbm4b:s2+s3], $0x80, v3, vm0, $0xb8;
	[tilespmem:$0x18080] =	vst v63  }
0x6f: {  	s31 =	simm.s32 $0x10880  }
0x70: {  	[tilespmem:s31], [sflag:$0x2] =	stream.indirect_vreg.gather [hbm4b:s4+s3], $0x80, v3, vm0, $0xb8;
	[tilespmem:$0x18080] =	vst v63  }
0x71: {  	s31 =	simm.s32 $0x11080  }
0x72: {  	[tilespmem:s31], [sflag:$0x2] =	stream.indirect_vreg.gather [hbm4b:s5+s3], $0x80, v3, vm0, $0xb8;
	[tilespmem:$0x18080] =	vst v63  }
0x73: {  	s31 =	simm.s32 $0x11880  }
0x74: {  	[tilespmem:s31], [sflag:$0x2] =	stream.indirect_vreg.gather [hbm4b:s7+s3], $0x80, v3, vm0, $0xb8;
	[tilespmem:$0x18080] =	vst v63  }
0x75: {  	s31 =	simm.s32 $0x12080  }
0x76: {  	[tilespmem:s31], [sflag:$0x2] =	stream.indirect_vreg.gather [hbm4b:s8+s3], $0x80, v3, vm0, $0xb8;
	[tilespmem:$0x18080] =	vst v63  }
0x77: {  	s31 =	simm.s32 $0x12880  }
0x78: {  	[tilespmem:s31], [sflag:$0x2] =	stream.indirect_vreg.gather [hbm4b:s9+s3], $0x80, v3, vm0, $0xb8;
	[tilespmem:$0x18080] =	vst v63  }
0x79: {  	s31 =	simm.s32 $0x13080  }
0x7a: {  	[tilespmem:s31], [sflag:$0x2] =	stream.indirect_vreg.gather [hbm4b:s10+s3], $0x80, v3, vm0, $0xb8;
	[tilespmem:$0x18080] =	vst v63  }
0x7b: {  	s31 =	simm.s32 $0x13880  }
0x7c: {  	[tilespmem:s31], [sflag:$0x2] =	stream.indirect_vreg.gather [hbm4b:s11+s3], $0x80, v3, vm0, $0xb8;
	[tilespmem:$0x18080] =	vst v63  }
0x7d: {  	v3 =	vld.msk [tilespmem:$0x28], $0xff;
	_ =	sdelay $0x4  }
0x7e: {  	v59 =	vshll.u32 v3, $0x4  }
0x7f: {  	v3 =	vand.u32 $0x7, v3;
	v4 =	vand.u32 $0xFFFFFF80, v59  }
0x80: {  	v3 =	vor.u32 v3, v4  }
0x81: {  	v3 =	vperm.xlane v3, v0;
	_ =	sdelay $0x1  }
0x82: {  	v3 =	vadd.s32 v1, v3;
	_ =	sdelay $0x3  }
0x83: {  	s31 =	simm.s32 $0x14080  }
0x84: {  	[tilespmem:s31], [sflag:$0x2] =	stream.indirect_vreg.gather [hbm4b:s2+s3], $0x80, v3, vm0, $0xb8;
	[tilespmem:$0x18080] =	vst v63  }
0x85: {  	s31 =	simm.s32 $0x14880  }
0x86: {  	[tilespmem:s31], [sflag:$0x2] =	stream.indirect_vreg.gather [hbm4b:s4+s3], $0x80, v3, vm0, $0xb8;
	[tilespmem:$0x18080] =	vst v63  }
0x87: {  	s31 =	simm.s32 $0x15080  }
0x88: {  	[tilespmem:s31], [sflag:$0x2] =	stream.indirect_vreg.gather [hbm4b:s5+s3], $0x80, v3, vm0, $0xb8;
	[tilespmem:$0x18080] =	vst v63  }
0x89: {  	s31 =	simm.s32 $0x15880  }
0x8a: {  	[tilespmem:s31], [sflag:$0x2] =	stream.indirect_vreg.gather [hbm4b:s7+s3], $0x80, v3, vm0, $0xb8;
	[tilespmem:$0x18080] =	vst v63  }
0x8b: {  	s31 =	simm.s32 $0x16080  }
0x8c: {  	[tilespmem:s31], [sflag:$0x2] =	stream.indirect_vreg.gather [hbm4b:s8+s3], $0x80, v3, vm0, $0xb8;
	[tilespmem:$0x18080] =	vst v63  }
0x8d: {  	s31 =	simm.s32 $0x16880  }
0x8e: {  	[tilespmem:s31], [sflag:$0x2] =	stream.indirect_vreg.gather [hbm4b:s9+s3], $0x80, v3, vm0, $0xb8;
	[tilespmem:$0x18080] =	vst v63  }
0x8f: {  	s31 =	simm.s32 $0x17080  }
0x90: {  	[tilespmem:s31], [sflag:$0x2] =	stream.indirect_vreg.gather [hbm4b:s10+s3], $0x80, v3, vm0, $0xb8;
	[tilespmem:$0x18080] =	vst v63  }
0x91: {  	s31 =	simm.s32 $0x17880  }
0x92: {  	[tilespmem:s31], [sflag:$0x2] =	stream.indirect_vreg.gather [hbm4b:s11+s3], $0x80, v3, vm0, $0xb8;
	[tilespmem:$0x18080] =	vst v63  }
0x93: {  	_ =	swait.ge [sflag:s28], $0xC000  }
0x94: {  	[sflag:s28] =	ssyncset.done $0x0  }
0x95: {  	s31 =	rddreg [dreg:$0x4];
	[sflag:s28] =	ssyncadd.s32 $0xFFFF4000  }
0x96: {  	[hbm4b:s31+s3] =	stream.linear.scatter [tilespmem:s1], [sflag:$0x4], $0xC000, $0x38;
	[tilespmem:$0x18080] =	vst v63  }
0x97: {  	_ =	swait.ge [sflag:s29], $0xC000  }
0x98: {  	[sflag:s29] =	ssyncset.done $0x0  }
0x99: {  	[sflag:s29] =	ssyncadd.s32 $0xFFFF4000  }
0x9a: {  	v3 =	vld [tilespmem:$0x30];
	_ =	sdelay $0x4  }
0x9b: {  	v60 =	vshll.u32 v3, $0x4  }
0x9c: {  	v3 =	vand.u32 $0x7, v3;
	v4 =	vand.u32 $0xFFFFFF80, v60  }
0x9d: {  	v3 =	vor.u32 v3, v4  }
0x9e: {  	v4 =	vperm.xlane v3, v0;
	_ =	sdelay $0x1  }
0x9f: {  	v4 =	vadd.s32 v1, v4;
	_ =	sdelay $0x4  }
0xa0: {  	[tilespmem:s20], [sflag:$0x1] =	stream.indirect_vreg.gather [hbm4b:s2+s3], $0x80, v4, vm0, $0xb8;
	[tilespmem:$0x18080] =	vst v63  }
0xa1: {  	s31 =	simm.s32 $0x880  }
0xa2: {  	[tilespmem:s31], [sflag:$0x1] =	stream.indirect_vreg.gather [hbm4b:s4+s3], $0x80, v4, vm0, $0xb8;
	[tilespmem:$0x18080] =	vst v63  }
0xa3: {  	s31 =	simm.s32 $0x1080  }
0xa4: {  	[tilespmem:s31], [sflag:$0x1] =	stream.indirect_vreg.gather [hbm4b:s5+s3], $0x80, v4, vm0, $0xb8;
	[tilespmem:$0x18080] =	vst v63  }
0xa5: {  	_ = 	snop  }
0xa6: {  	[tilespmem:s6], [sflag:$0x1] =	stream.indirect_vreg.gather [hbm4b:s7+s3], $0x80, v4, vm0, $0xb8;
	[tilespmem:$0x18080] =	vst v63  }
0xa7: {  	_ = 	snop  }
0xa8: {  	[tilespmem:s15], [sflag:$0x1] =	stream.indirect_vreg.gather [hbm4b:s8+s3], $0x80, v4, vm0, $0xb8;
	[tilespmem:$0x18080] =	vst v63  }
0xa9: {  	v3 =	vperm.xlane v3, v2  }
0xaa: {  	[tilespmem:s16], [sflag:$0x1] =	stream.indirect_vreg.gather [hbm4b:s9+s3], $0x80, v4, vm0, $0xb8;
	[tilespmem:$0x18080] =	vst v63  }
0xab: {  	v3 =	vadd.s32 v1, v3  }
0xac: {  	[tilespmem:s17], [sflag:$0x1] =	stream.indirect_vreg.gather [hbm4b:s10+s3], $0x80, v4, vm0, $0xb8;
	[tilespmem:$0x18080] =	vst v63  }
0xad: {  	_ = 	snop  }
0xae: {  	[tilespmem:s18], [sflag:$0x1] =	stream.indirect_vreg.gather [hbm4b:s11+s3], $0x80, v4, vm0, $0xb8;
	[tilespmem:$0x18080] =	vst v63  }
0xaf: {  	_ = 	snop  }
0xb0: {  	[tilespmem:s21], [sflag:$0x1] =	stream.indirect_vreg.gather [hbm4b:s2+s3], $0x80, v3, vm0, $0xb8;
	[tilespmem:$0x18080] =	vst v63  }
0xb1: {  	_ = 	snop  }
0xb2: {  	[tilespmem:s22], [sflag:$0x1] =	stream.indirect_vreg.gather [hbm4b:s4+s3], $0x80, v3, vm0, $0xb8;
	[tilespmem:$0x18080] =	vst v63  }
0xb3: {  	_ = 	snop  }
0xb4: {  	[tilespmem:s23], [sflag:$0x1] =	stream.indirect_vreg.gather [hbm4b:s5+s3], $0x80, v3, vm0, $0xb8;
	[tilespmem:$0x18080] =	vst v63  }
0xb5: {  	_ = 	snop  }
0xb6: {  	[tilespmem:s24], [sflag:$0x1] =	stream.indirect_vreg.gather [hbm4b:s7+s3], $0x80, v3, vm0, $0xb8;
	[tilespmem:$0x18080] =	vst v63  }
0xb7: {  	_ = 	snop  }
0xb8: {  	[tilespmem:s25], [sflag:$0x1] =	stream.indirect_vreg.gather [hbm4b:s8+s3], $0x80, v3, vm0, $0xb8;
	[tilespmem:$0x18080] =	vst v63  }
0xb9: {  	_ = 	snop  }
0xba: {  	[tilespmem:s26], [sflag:$0x1] =	stream.indirect_vreg.gather [hbm4b:s9+s3], $0x80, v3, vm0, $0xb8;
	[tilespmem:$0x18080] =	vst v63  }
0xbb: {  	_ = 	snop  }
0xbc: {  	[tilespmem:s13], [sflag:$0x1] =	stream.indirect_vreg.gather [hbm4b:s10+s3], $0x80, v3, vm0, $0xb8;
	[tilespmem:$0x18080] =	vst v63  }
0xbd: {  	_ = 	snop  }
0xbe: {  	[tilespmem:s14], [sflag:$0x1] =	stream.indirect_vreg.gather [hbm4b:s11+s3], $0x80, v3, vm0, $0xb8;
	[tilespmem:$0x18080] =	vst v63  }
0xbf: {  	v3 =	vld.msk [tilespmem:$0x40], $0xff;
	_ =	sdelay $0x4  }
0xc0: {  	v61 =	vshll.u32 v3, $0x4  }
0xc1: {  	v3 =	vand.u32 $0x7, v3;
	v4 =	vand.u32 $0xFFFFFF80, v61  }
0xc2: {  	v3 =	vor.u32 v3, v4  }
0xc3: {  	v3 =	vperm.xlane v3, v0;
	_ =	sdelay $0x1  }
0xc4: {  	v3 =	vadd.s32 v1, v3;
	_ =	sdelay $0x4  }
0xc5: {  	[tilespmem:s19], [sflag:$0x1] =	stream.indirect_vreg.gather [hbm4b:s2+s3], $0x80, v3, vm0, $0xb8;
	[tilespmem:$0x18080] =	vst v63  }
0xc6: {  	s31 =	simm.s32 $0x8880  }
0xc7: {  	[tilespmem:s31], [sflag:$0x1] =	stream.indirect_vreg.gather [hbm4b:s4+s3], $0x80, v3, vm0, $0xb8;
	[tilespmem:$0x18080] =	vst v63  }
0xc8: {  	s31 =	simm.s32 $0x9080  }
0xc9: {  	[tilespmem:s31], [sflag:$0x1] =	stream.indirect_vreg.gather [hbm4b:s5+s3], $0x80, v3, vm0, $0xb8;
	[tilespmem:$0x18080] =	vst v63  }
0xca: {  	s31 =	simm.s32 $0x9880  }
0xcb: {  	[tilespmem:s31], [sflag:$0x1] =	stream.indirect_vreg.gather [hbm4b:s7+s3], $0x80, v3, vm0, $0xb8;
	[tilespmem:$0x18080] =	vst v63  }
0xcc: {  	s31 =	simm.s32 $0xA080  }
0xcd: {  	[tilespmem:s31], [sflag:$0x1] =	stream.indirect_vreg.gather [hbm4b:s8+s3], $0x80, v3, vm0, $0xb8;
	[tilespmem:$0x18080] =	vst v63  }
0xce: {  	s31 =	simm.s32 $0xA880  }
0xcf: {  	[tilespmem:s31], [sflag:$0x1] =	stream.indirect_vreg.gather [hbm4b:s9+s3], $0x80, v3, vm0, $0xb8;
	[tilespmem:$0x18080] =	vst v63  }
0xd0: {  	s31 =	simm.s32 $0xB080  }
0xd1: {  	[tilespmem:s31], [sflag:$0x1] =	stream.indirect_vreg.gather [hbm4b:s10+s3], $0x80, v3, vm0, $0xb8;
	[tilespmem:$0x18080] =	vst v63  }
0xd2: {  	s31 =	simm.s32 $0xB880  }
0xd3: {  	[tilespmem:s31], [sflag:$0x1] =	stream.indirect_vreg.gather [hbm4b:s11+s3], $0x80, v3, vm0, $0xb8;
	[tilespmem:$0x18080] =	vst v63  }
0xd4: {  	_ =	swait.ge [sflag:s0], $0xC000  }
0xd5: {  	[sflag:s0] =	ssyncset.done $0x0  }
0xd6: {  	s6 =	rddreg [dreg:$0x5];
	[sflag:s0] =	ssyncadd.s32 $0xFFFF4000  }
0xd7: {  	[hbm4b:s6+s3] =	stream.linear.scatter [tilespmem:s20], [sflag:$0x3], $0xC000, $0x38;
	[tilespmem:$0x18080] =	vst v63  }
0xd8: {  	_ =	swait.ge [sflag:s30], $0xC000  }
0xd9: {  	[sflag:s30] =	ssyncset.done $0x0  }
0xda: {  	[sflag:s30] =	ssyncadd.s32 $0xFFFF4000  }
0xdb: {  	v3 =	vld [tilespmem:$0x48];
	_ =	sdelay $0x4  }
0xdc: {  	v62 =	vshll.u32 v3, $0x4  }
0xdd: {  	v3 =	vand.u32 $0x7, v3;
	v4 =	vand.u32 $0xFFFFFF80, v62  }
0xde: {  	v3 =	vor.u32 v3, v4  }
0xdf: {  	v4 =	vperm.xlane v3, v0;
	_ =	sdelay $0x1  }
0xe0: {  	v4 =	vadd.s32 v1, v4;
	_ =	sdelay $0x4  }
0xe1: {  	[tilespmem:s1], [sflag:$0x2] =	stream.indirect_vreg.gather [hbm4b:s2+s3], $0x80, v4, vm0, $0xb8;
	[tilespmem:$0x18080] =	vst v63  }
0xe2: {  	s31 =	simm.s32 $0xC880  }
0xe3: {  	[tilespmem:s31], [sflag:$0x2] =	stream.indirect_vreg.gather [hbm4b:s4+s3], $0x80, v4, vm0, $0xb8;
	[tilespmem:$0x18080] =	vst v63  }
0xe4: {  	s6 =	simm.s32 $0xD080  }
0xe5: {  	[tilespmem:s6], [sflag:$0x2] =	stream.indirect_vreg.gather [hbm4b:s5+s3], $0x80, v4, vm0, $0xb8;
	[tilespmem:$0x18080] =	vst v63  }
0xe6: {  	s31 =	simm.s32 $0xD880  }
0xe7: {  	[tilespmem:s31], [sflag:$0x2] =	stream.indirect_vreg.gather [hbm4b:s7+s3], $0x80, v4, vm0, $0xb8;
	[tilespmem:$0x18080] =	vst v63  }
0xe8: {  	s6 =	simm.s32 $0xE080  }
0xe9: {  	[tilespmem:s6], [sflag:$0x2] =	stream.indirect_vreg.gather [hbm4b:s8+s3], $0x80, v4, vm0, $0xb8;
	[tilespmem:$0x18080] =	vst v63  }
0xea: {  	v3 =	vperm.xlane v3, v2;
	s31 =	simm.s32 $0xE880  }
0xeb: {  	[tilespmem:s31], [sflag:$0x2] =	stream.indirect_vreg.gather [hbm4b:s9+s3], $0x80, v4, vm0, $0xb8;
	[tilespmem:$0x18080] =	vst v63  }
0xec: {  	v3 =	vadd.s32 v1, v3;
	s6 =	simm.s32 $0xF080  }
0xed: {  	[tilespmem:s6], [sflag:$0x2] =	stream.indirect_vreg.gather [hbm4b:s10+s3], $0x80, v4, vm0, $0xb8;
	[tilespmem:$0x18080] =	vst v63  }
0xee: {  	s31 =	simm.s32 $0xF880  }
0xef: {  	[tilespmem:s31], [sflag:$0x2] =	stream.indirect_vreg.gather [hbm4b:s11+s3], $0x80, v4, vm0, $0xb8;
	[tilespmem:$0x18080] =	vst v63  }
0xf0: {  	s6 =	simm.s32 $0x10080  }
0xf1: {  	[tilespmem:s6], [sflag:$0x2] =	stream.indirect_vreg.gather [hbm4b:s2+s3], $0x80, v3, vm0, $0xb8;
	[tilespmem:$0x18080] =	vst v63  }
0xf2: {  	s31 =	simm.s32 $0x10880  }
0xf3: {  	[tilespmem:s31], [sflag:$0x2] =	stream.indirect_vreg.gather [hbm4b:s4+s3], $0x80, v3, vm0, $0xb8;
	[tilespmem:$0x18080] =	vst v63  }
0xf4: {  	s6 =	simm.s32 $0x11080  }
0xf5: {  	[tilespmem:s6], [sflag:$0x2] =	stream.indirect_vreg.gather [hbm4b:s5+s3], $0x80, v3, vm0, $0xb8;
	[tilespmem:$0x18080] =	vst v63  }
0xf6: {  	s31 =	simm.s32 $0x11880  }
0xf7: {  	[tilespmem:s31], [sflag:$0x2] =	stream.indirect_vreg.gather [hbm4b:s7+s3], $0x80, v3, vm0, $0xb8;
	[tilespmem:$0x18080] =	vst v63  }
0xf8: {  	s6 =	simm.s32 $0x12080  }
0xf9: {  	[tilespmem:s6], [sflag:$0x2] =	stream.indirect_vreg.gather [hbm4b:s8+s3], $0x80, v3, vm0, $0xb8;
	[tilespmem:$0x18080] =	vst v63  }
0xfa: {  	s31 =	simm.s32 $0x12880  }
0xfb: {  	[tilespmem:s31], [sflag:$0x2] =	stream.indirect_vreg.gather [hbm4b:s9+s3], $0x80, v3, vm0, $0xb8;
	[tilespmem:$0x18080] =	vst v63  }
0xfc: {  	s6 =	simm.s32 $0x13080  }
0xfd: {  	[tilespmem:s6], [sflag:$0x2] =	stream.indirect_vreg.gather [hbm4b:s10+s3], $0x80, v3, vm0, $0xb8;
	[tilespmem:$0x18080] =	vst v63  }
0xfe: {  	s31 =	simm.s32 $0x13880  }
0xff: {  	[tilespmem:s31], [sflag:$0x2] =	stream.indirect_vreg.gather [hbm4b:s11+s3], $0x80, v3, vm0, $0xb8;
	[tilespmem:$0x18080] =	vst v63  }
0x100: {  	v3 =	vld.msk [tilespmem:$0x58], $0xff;
	_ =	sdelay $0x4  }
0x101: {  	v63 =	vshll.u32 v3, $0x4  }
0x102: {  	v3 =	vand.u32 $0x7, v3;
	v4 =	vand.u32 $0xFFFFFF80, v63  }
0x103: {  	v3 =	vor.u32 v3, v4  }
0x104: {  	v3 =	vperm.xlane v3, v0;
	_ =	sdelay $0x1  }
0x105: {  	v3 =	vadd.s32 v1, v3;
	_ =	sdelay $0x3  }
0x106: {  	s6 =	simm.s32 $0x14080  }
0x107: {  	[tilespmem:s6], [sflag:$0x2] =	stream.indirect_vreg.gather [hbm4b:s2+s3], $0x80, v3, vm0, $0xb8;
	[tilespmem:$0x18080] =	vst v63  }
0x108: {  	s31 =	simm.s32 $0x14880  }
0x109: {  	[tilespmem:s31], [sflag:$0x2] =	stream.indirect_vreg.gather [hbm4b:s4+s3], $0x80, v3, vm0, $0xb8;
	[tilespmem:$0x18080] =	vst v63  }
0x10a: {  	s6 =	simm.s32 $0x15080  }
0x10b: {  	[tilespmem:s6], [sflag:$0x2] =	stream.indirect_vreg.gather [hbm4b:s5+s3], $0x80, v3, vm0, $0xb8;
	[tilespmem:$0x18080] =	vst v63  }
0x10c: {  	s31 =	simm.s32 $0x15880  }
0x10d: {  	[tilespmem:s31], [sflag:$0x2] =	stream.indirect_vreg.gather [hbm4b:s7+s3], $0x80, v3, vm0, $0xb8;
	[tilespmem:$0x18080] =	vst v63  }
0x10e: {  	s6 =	simm.s32 $0x16080  }
0x10f: {  	[tilespmem:s6], [sflag:$0x2] =	stream.indirect_vreg.gather [hbm4b:s8+s3], $0x80, v3, vm0, $0xb8;
	[tilespmem:$0x18080] =	vst v63  }
0x110: {  	s31 =	simm.s32 $0x16880  }
0x111: {  	[tilespmem:s31], [sflag:$0x2] =	stream.indirect_vreg.gather [hbm4b:s9+s3], $0x80, v3, vm0, $0xb8;
	[tilespmem:$0x18080] =	vst v63  }
0x112: {  	s6 =	simm.s32 $0x17080  }
0x113: {  	[tilespmem:s6], [sflag:$0x2] =	stream.indirect_vreg.gather [hbm4b:s10+s3], $0x80, v3, vm0, $0xb8;
	[tilespmem:$0x18080] =	vst v63  }
0x114: {  	s31 =	simm.s32 $0x17880  }
0x115: {  	[tilespmem:s31], [sflag:$0x2] =	stream.indirect_vreg.gather [hbm4b:s11+s3], $0x80, v3, vm0, $0xb8;
	[tilespmem:$0x18080] =	vst v63  }
0x116: {  	_ =	swait.ge [sflag:s28], $0xC000  }
0x117: {  	[sflag:s28] =	ssyncset.done $0x0  }
0x118: {  	s6 =	rddreg [dreg:$0x6];
	[sflag:s28] =	ssyncadd.s32 $0xFFFF4000  }
0x119: {  	[hbm4b:s6+s3] =	stream.linear.scatter [tilespmem:s1], [sflag:$0x4], $0xC000, $0x38;
	[tilespmem:$0x18080] =	vst v63  }
0x11a: {  	p0 =	sne.s32 s12, $0x1;
	_ =	swait.ge [sflag:s29], $0xC000  }
.Ltmp0:
0x11b: {  	[sflag:s29] =	ssyncset.done $0x0;
	(pc) =	sbr.rel @p0 .LBB2_1-.Ltmp0, $4  }
0x11c: {  	[sflag:s29] =	ssyncadd.s32 $0xFFFF4000  }
0x11d: {  	_ =	swait.ge [sflag:s30], $0xC000  }
0x11e: {  	[sflag:s30] =	ssyncset.done $0x0  }
0x11f: {  	s12 =	sadd.s32 $0xFFFFFFFF, s12;
	[sflag:s30] =	ssyncadd.s32 $0xFFFF4000  }
0x120: {  	_ =	sfence.sel $0x180000  }
0x121: {  	[bflag:$0x0] =	sbarrier.arrive $0xFFFF  }
0x122: {  	_ =	strace $0x90000047  }
0x123: {  	s0 =	stileid.u32;
	[bflag:$0x2] =	sbarrier.arrive $0xFFFF  }
0x124: {  	p0 =	sne.s32 s0, $0x0;
	s0 =	rddreg [dreg:$0x2]  }
0x125: {  	s0 =	sadd.s32 @!p0 $0x100000, s0  }
0x126: {  	[sflag:s0] =	ssyncadd.tile.s32 @!p0 $0x1;
	_ =	shalt  }
.Lfunc_end2:
_tile_overlayer_lowered:
.L_overlay_start_2:
0x127: {  	(tag) =	ssettag $0x2  }
0x128: {  	s0 =	rddreg [dreg:$0x0];
	s2 =	stileid.u32  }
0x129: {  	s1 =	rddreg [dreg:$0x1];
	p0 =	sne.s32 s2, $0x0  }
0x12a: {  	s3 =	rddreg [dreg:$0x2];
	[bflag:$0x3] =	sbarrier.arrive $0xFFFF;
	s2 =	simm.s32 @!p0 $0x1C05  }
0x12b: {  	[timem:s3], [sflag:s2] =	dma.local @!p0 [hbm:s0], s1  }
0x12c: {  	s0 =	simm.s32 @!p0 $0x5  }
0x12d: {  	_ =	swait.ge @!p0 [sflag:s0], s1  }
0x12e: {  	s1 =	ssub.s32 @!p0 $0x0, s1;
	[sflag:s0] =	ssyncset.done @!p0 $0x0  }
0x12f: {  	[sflag:s0] =	ssyncadd.s32 @!p0 s1  }
0x130: {  	[bflag:$0x3] =	sbarrier.arrive $0xFFFF  }
0x131: {  	_ =	shalt  }

</sc_bundles>
